<compile_context>
chip_gen: v7x
topology: tpu7x:2x2x1
jax: 0.10.2.dev20260603
libtpu: 0.0.44.dev20260713+nightly
codegen_flags: <defaults>
</compile_context>

<pallas_src>
import functools

import jax
import jax.numpy as jnp
from jax import lax
from jax.experimental import pallas as pl
from jax.experimental.pallas import tpu as pltpu
from jax.experimental.pallas import tpu_sc as plsc

B, C, H, W = 8, 96, 224, 224
HWN = H * W
NPIX = B * HWN
NC, NS, L = 2, 16, 16
NW = NC * NS
PPW = NPIX // NW
QH = 56
NHR = QH // 8
TW = 128
SCW = 128
SCG = SCW // L
TCW = 128
TCV = W - SCW


def _sc_body(scores_hbm, y_hbm, out_hbm, y_v, buf_v, acc_v):
    c = lax.axis_index("c")
    s = lax.axis_index("s")
    wid = s * NC + c
    b = wid // 4
    h0 = (wid % 4) * QH

    pltpu.sync_copy(
        y_hbm.at[b, pl.ds(h0, QH), pl.ds(0, SCW)], y_v
    )
    lane = lax.iota(jnp.int32, L)

    def tile_band(hr, acc):
        habs = h0 + hr * 8
        pltpu.sync_copy(
            scores_hbm.at[b, :, pl.ds(habs, 8), pl.ds(0, TW)], buf_v
        )

        def grp(i, acc):
            hs = i // SCG
            g = i % SCG
            yv = y_v[hr * 8 + hs, pl.ds(g * L, L)]
            hv = jnp.broadcast_to(hs, (L,)).astype(jnp.int32)
            wv = g * L + lane
            return acc - plsc.load_gather(buf_v, [yv, hv, wv])

        return lax.fori_loop(0, 8 * SCG, grp, acc)

    acc = lax.fori_loop(0, NHR, tile_band, jnp.zeros((L,), jnp.float32))
    acc_v[...] = acc
    pltpu.sync_copy(acc_v, out_hbm.at[wid])


@functools.partial(
    pl.kernel,
    out_type=jax.ShapeDtypeStruct((NW, L), jnp.float32),
    mesh=plsc.VectorSubcoreMesh(core_axis_name="c", subcore_axis_name="s"),
    scratch_types=[
        pltpu.VMEM((QH, SCW), jnp.int32),
        pltpu.VMEM((C, 8, TW), jnp.float32),
        pltpu.VMEM((L,), jnp.float32),
    ],
    compiler_params=pltpu.CompilerParams(
        use_tc_tiling_on_sc=True, needs_layout_passes=False
    ),
)
def _sc_gather_sum(scores_hbm, y_hbm, out_hbm, y_v, buf_v, acc_v):
    _sc_body(scores_hbm, y_hbm, out_hbm, y_v, buf_v, acc_v)


TCH = 224


def _tc_body(s_ref, y_ref, out_ref):
    s = s_ref[0]
    y = y_ref[0]
    ge32 = jnp.broadcast_to((y >= 32)[None], (32, TCH, TCW))
    ge64 = jnp.broadcast_to((y >= 64)[None], (32, TCH, TCW))
    v = jnp.where(ge64, s[64:96], jnp.where(ge32, s[32:64], s[0:32]))
    k = 16
    while k >= 1:
        bit = jnp.broadcast_to((y & k) > 0, (k, TCH, TCW))
        v = jnp.where(bit, v[k:2 * k], v[:k])
        k //= 2
    valid = lax.broadcasted_iota(jnp.int32, (1, TCH, TCW), 2) < TCV

    @pl.when((pl.program_id(0) == 0) & (pl.program_id(1) == 0))
    def _():
        out_ref[0, 0] = 0.0

    out_ref[0, 0] -= jnp.sum(jnp.where(valid, v, 0.0))


def _tc_masked_sum(scores, y):
    return pl.pallas_call(
        _tc_body,
        grid=(B, H // TCH),
        in_specs=[
            pl.BlockSpec((1, C, TCH, TCW), lambda b, h: (b, 0, h, 1)),
            pl.BlockSpec((1, TCH, TCW), lambda b, h: (b, h, 1)),
        ],
        out_specs=pl.BlockSpec(
            (1, 1), lambda b, h: (0, 0), memory_space=pltpu.SMEM
        ),
        out_shape=jax.ShapeDtypeStruct((1, 1), jnp.float32),
    )(scores, y)


def kernel(scores, y):
    sc_partials = _sc_gather_sum(scores, y)
    tc_partials = _tc_masked_sum(scores, y)
    return jnp.sum(sc_partials) + tc_partials[0, 0]

# --- scband reference (transcript-rebuilt; emitter-appended) ---
"""Pipeline reference for scband-hyperspherical-loss-38259568672962 (READ-ONLY COPY).

The authoritative reference and input builder live on the scoring server;
editing this copy changes nothing except your own understanding.
"""

import jax, jax.numpy as jnp
import numpy as np


def setup_inputs(seed: int = 0) -> dict:
    key = jax.random.key(seed)
    k1, k2 = jax.random.split(key)
    scores = jax.random.normal(k1, (8, 96, 224, 224), dtype=jnp.float32)
    y = jax.random.randint(k2, (8, 224, 224), 0, 96, dtype=jnp.int32)
    return {"scores": scores, "y": y}


def reference(scores, y):
    # Faithful translation of HypersphericalLoss.forward with
    # ignore_label=None and class_weights=None.
    b, c, h, w = scores.shape
    # view(b, c, h*w).transpose(1, 2).contiguous().view(b*h*w, c)
    s = scores.reshape(b, c, h * w).transpose(0, 2, 1).reshape(b * h * w, c)
    y_lab = y.reshape(b * h * w).astype(jnp.int32)
    # -scores.gather(dim=1, index=y_lab.view(-1, 1)).squeeze()
    loss = -jnp.take_along_axis(s, y_lab[:, None], axis=1).squeeze(-1)
    return loss.sum()

if __name__ == "__main__":
    import jax
    _d = setup_inputs()
    print(jax.jit(kernel)(*tuple(_d.values())))

</pallas_src>

<mosaic_0001>
#map = affine_map<(d0, d1) -> (0, 0, 0, 0)>
#map1 = affine_map<(d0, d1) -> (0, 0, 0)>
#map2 = affine_map<(d0, d1) -> (0, 0)>
module attributes {stable_mosaic.version = 14 : i64} {
  func.func @_sc_gather_sum(%arg0: i32, %arg1: i32, %arg2: memref<8x96x224x224xf32, #tpu.memory_space<hbm>>, %arg3: memref<8x224x224xi32, #tpu.memory_space<hbm>>, %arg4: memref<32x16xf32, #tpu.memory_space<hbm>>, %arg5: memref<56x128xi32, #tpu.memory_space<vmem>>, %arg6: memref<96x8x128xf32, #tpu.memory_space<vmem>>, %arg7: memref<16xf32, #tpu.memory_space<vmem>>) attributes {dimension_semantics = [#tpu.dimension_semantics<core_parallel>, #tpu.dimension_semantics<subcore_parallel>], iteration_bounds = array<i64: 2, 16>, scalar_prefetch = 0 : i64, scratch_operands = 3 : i64, tpu.core_type = #tpu.core_type<sc_vector_subcore>, window_params = [{transform_indices = #map}, {transform_indices = #map1}, {transform_indices = #map2}]} {
    %mul3A = arith.constant 2 : i32
    %mul3A_0 = arith.muli %arg1, %mul3A : i32
    %add3A = arith.addi %mul3A_0, %arg0 : i32
    %jit3A = arith.constant 4 : i32
    %div3A = arith.divsi %add3A, %jit3A : i32
    %sign3A = arith.constant 0 : i32
    %sign3A_1 = arith.cmpi sgt, %add3A, %sign3A : i32
    %sign3A_2 = arith.extui %sign3A_1 : i1 to i32
    %sign3A_3 = arith.constant 0 : i32
    %sign3A_4 = arith.cmpi slt, %add3A, %sign3A_3 : i32
    %sign3A_5 = arith.extui %sign3A_4 : i1 to i32
    %sign3A_6 = arith.subi %sign3A_2, %sign3A_5 : i32
    %sign3A_7 = arith.constant 0 : i32
    %sign3A_8 = arith.cmpi sgt, %jit3A, %sign3A_7 : i32
    %sign3A_9 = arith.extui %sign3A_8 : i1 to i32
    %sign3A_10 = arith.constant 0 : i32
    %sign3A_11 = arith.cmpi slt, %jit3A, %sign3A_10 : i32
    %sign3A_12 = arith.extui %sign3A_11 : i1 to i32
    %sign3A_13 = arith.subi %sign3A_9, %sign3A_12 : i32
    %ne3A = arith.cmpi ne, %sign3A_6, %sign3A_13 : i32
    %rem3A = arith.remsi %add3A, %jit3A : i32
    %ne3A_14 = arith.constant 0 : i32
    %ne3A_15 = arith.cmpi ne, %rem3A, %ne3A_14 : i32
    %and3A = arith.andi %ne3A, %ne3A_15 : i1
    %sub3A = arith.constant 1 : i32
    %sub3A_16 = arith.subi %div3A, %sub3A : i32
    %select_n3A = arith.select %and3A, %sub3A_16, %div3A : i32
    %jit3A_17 = arith.constant 4 : i32
    %eq3A = arith.constant 0 : i32
    %eq3A_18 = arith.cmpi eq, %jit3A_17, %eq3A : i32
    %jit3A_19 = arith.constant 1 : i32
    %select_n3A_20 = arith.select %eq3A_18, %jit3A_19, %jit3A_17 : i32
    %rem3A_21 = arith.remsi %add3A, %select_n3A_20 : i32
    %ne3A_22 = arith.constant 0 : i32
    %ne3A_23 = arith.cmpi ne, %rem3A_21, %ne3A_22 : i32
    %lt3A = arith.constant 0 : i32
    %lt3A_24 = arith.cmpi slt, %rem3A_21, %lt3A : i32
    %lt3A_25 = arith.constant 0 : i32
    %lt3A_26 = arith.cmpi slt, %select_n3A_20, %lt3A_25 : i32
    %ne3A_27 = arith.xori %lt3A_24, %lt3A_26 : i1
    %and3A_28 = arith.andi %ne3A_27, %ne3A_23 : i1
    %add3A_29 = arith.addi %rem3A_21, %select_n3A_20 : i32
    %select_n3A_30 = arith.select %and3A_28, %add3A_29, %rem3A_21 : i32
    %mul3A_31 = arith.constant 56 : i32
    %mul3A_32 = arith.muli %select_n3A_30, %mul3A_31 : i32
    "tpu.region"() ({
      %run_scoped3A = tpu.sem_alloc : memref<!tpu.dma_semaphore, #tpu.memory_space<semaphore_mem>>
      %dma_start3A = arith.constant 0 : i32
      %dma_start3A_40 = tpu.memref_slice %arg3[%select_n3A, %mul3A_32, %dma_start3A] : memref<8x224x224xi32, #tpu.memory_space<hbm>> -> memref<1x56x128xi32, #tpu.memory_space<hbm>>
      %dma_start3A_41 = tpu.memref_squeeze %dma_start3A_40 : memref<1x56x128xi32, #tpu.memory_space<hbm>> -> memref<56x128xi32, #tpu.memory_space<hbm>>
      %dma_start3A_42 = arith.constant 0 : i32
      %dma_start3A_43 = tpu.memref_slice %arg3[%select_n3A, %mul3A_32, %dma_start3A_42] : memref<8x224x224xi32, #tpu.memory_space<hbm>> -> memref<1x56x128xi32, #tpu.memory_space<hbm>>
      %dma_start3A_44 = tpu.memref_squeeze %dma_start3A_43 : memref<1x56x128xi32, #tpu.memory_space<hbm>> -> memref<56x128xi32, #tpu.memory_space<hbm>>
      tpu.enqueue_dma source(%dma_start3A_44 : memref<56x128xi32, #tpu.memory_space<hbm>>) target(%arg5 : memref<56x128xi32, #tpu.memory_space<vmem>>) target_semaphore(%run_scoped3A : memref<!tpu.dma_semaphore, #tpu.memory_space<semaphore_mem>>)
      %dma_wait3A = arith.constant 0 : i32
      %dma_wait3A_45 = tpu.memref_slice %arg3[%select_n3A, %mul3A_32, %dma_wait3A] : memref<8x224x224xi32, #tpu.memory_space<hbm>> -> memref<1x56x128xi32, #tpu.memory_space<hbm>>
      %dma_wait3A_46 = tpu.memref_squeeze %dma_wait3A_45 : memref<1x56x128xi32, #tpu.memory_space<hbm>> -> memref<56x128xi32, #tpu.memory_space<hbm>>
      %dma_wait3A_47 = arith.constant 0 : i32
      %dma_wait3A_48 = tpu.memref_slice %arg3[%select_n3A, %mul3A_32, %dma_wait3A_47] : memref<8x224x224xi32, #tpu.memory_space<hbm>> -> memref<1x56x128xi32, #tpu.memory_space<hbm>>
      %dma_wait3A_49 = tpu.memref_squeeze %dma_wait3A_48 : memref<1x56x128xi32, #tpu.memory_space<hbm>> -> memref<56x128xi32, #tpu.memory_space<hbm>>
      tpu.wait_dma2 semaphore(%run_scoped3A : memref<!tpu.dma_semaphore, #tpu.memory_space<semaphore_mem>>) src(%dma_wait3A_49 : memref<56x128xi32, #tpu.memory_space<hbm>>) dst(%arg5 : memref<56x128xi32, #tpu.memory_space<vmem>>)
      tpu.yield
    }) : () -> ()
    %iota3A = tpu.iota {dimensions = array<i32: 0>} : vector<16xi32>
    %broadcast_in_dim3A = arith.constant 0.000000e+00 : f32
    %broadcast_in_dim3A_33 = vector.broadcast %broadcast_in_dim3A : f32 to vector<16xf32>
    %scan3A = arith.constant 0 : i32
    %scan3A_34 = arith.constant 7 : i32
    %scan3A_35 = arith.addi %scan3A, %scan3A_34 : i32
    %scan3A_36 = arith.constant 1 : i32
    %scan3A_37 = scf.for %scan3A_40 = %scan3A to %scan3A_35 step %scan3A_36 iter_args(%scan3A_41 = %broadcast_in_dim3A_33) -> (vector<16xf32>)  : i32 {
      %mul3A_42 = arith.constant 8 : i32
      %mul3A_43 = arith.muli %scan3A_40, %mul3A_42 : i32
      %add3A_44 = arith.addi %mul3A_32, %mul3A_43 : i32
      "tpu.region"() ({
        %run_scoped3A = tpu.sem_alloc : memref<!tpu.dma_semaphore, #tpu.memory_space<semaphore_mem>>
        %dma_start3A = arith.constant 0 : i32
        %dma_start3A_51 = arith.constant 0 : i32
        %dma_start3A_52 = tpu.memref_slice %arg2[%select_n3A, %dma_start3A, %add3A_44, %dma_start3A_51] : memref<8x96x224x224xf32, #tpu.memory_space<hbm>> -> memref<1x96x8x128xf32, #tpu.memory_space<hbm>>
        %dma_start3A_53 = tpu.memref_squeeze %dma_start3A_52 : memref<1x96x8x128xf32, #tpu.memory_space<hbm>> -> memref<96x8x128xf32, #tpu.memory_space<hbm>>
        %dma_start3A_54 = arith.constant 0 : i32
        %dma_start3A_55 = arith.constant 0 : i32
        %dma_start3A_56 = tpu.memref_slice %arg2[%select_n3A, %dma_start3A_54, %add3A_44, %dma_start3A_55] : memref<8x96x224x224xf32, #tpu.memory_space<hbm>> -> memref<1x96x8x128xf32, #tpu.memory_space<hbm>>
        %dma_start3A_57 = tpu.memref_squeeze %dma_start3A_56 : memref<1x96x8x128xf32, #tpu.memory_space<hbm>> -> memref<96x8x128xf32, #tpu.memory_space<hbm>>
        tpu.enqueue_dma source(%dma_start3A_57 : memref<96x8x128xf32, #tpu.memory_space<hbm>>) target(%arg6 : memref<96x8x128xf32, #tpu.memory_space<vmem>>) target_semaphore(%run_scoped3A : memref<!tpu.dma_semaphore, #tpu.memory_space<semaphore_mem>>)
        %dma_wait3A = arith.constant 0 : i32
        %dma_wait3A_58 = arith.constant 0 : i32
        %dma_wait3A_59 = tpu.memref_slice %arg2[%select_n3A, %dma_wait3A, %add3A_44, %dma_wait3A_58] : memref<8x96x224x224xf32, #tpu.memory_space<hbm>> -> memref<1x96x8x128xf32, #tpu.memory_space<hbm>>
        %dma_wait3A_60 = tpu.memref_squeeze %dma_wait3A_59 : memref<1x96x8x128xf32, #tpu.memory_space<hbm>> -> memref<96x8x128xf32, #tpu.memory_space<hbm>>
        %dma_wait3A_61 = arith.constant 0 : i32
        %dma_wait3A_62 = arith.constant 0 : i32
        %dma_wait3A_63 = tpu.memref_slice %arg2[%select_n3A, %dma_wait3A_61, %add3A_44, %dma_wait3A_62] : memref<8x96x224x224xf32, #tpu.memory_space<hbm>> -> memref<1x96x8x128xf32, #tpu.memory_space<hbm>>
        %dma_wait3A_64 = tpu.memref_squeeze %dma_wait3A_63 : memref<1x96x8x128xf32, #tpu.memory_space<hbm>> -> memref<96x8x128xf32, #tpu.memory_space<hbm>>
        tpu.wait_dma2 semaphore(%run_scoped3A : memref<!tpu.dma_semaphore, #tpu.memory_space<semaphore_mem>>) src(%dma_wait3A_64 : memref<96x8x128xf32, #tpu.memory_space<hbm>>) dst(%arg6 : memref<96x8x128xf32, #tpu.memory_space<vmem>>)
        tpu.yield
      }) : () -> ()
      %scan3A_45 = arith.constant 0 : i32
      %scan3A_46 = arith.constant 64 : i32
      %scan3A_47 = arith.addi %scan3A_45, %scan3A_46 : i32
      %scan3A_48 = arith.constant 1 : i32
      %scan3A_49 = scf.for %scan3A_51 = %scan3A_45 to %scan3A_47 step %scan3A_48 iter_args(%scan3A_52 = %scan3A_41) -> (vector<16xf32>)  : i32 {
        %jit3A_53 = arith.constant 8 : i32
        %div3A_54 = arith.divsi %scan3A_51, %jit3A_53 : i32
        %sign3A_55 = arith.constant 0 : i32
        %sign3A_56 = arith.cmpi sgt, %scan3A_51, %sign3A_55 : i32
        %sign3A_57 = arith.extui %sign3A_56 : i1 to i32
        %sign3A_58 = arith.constant 0 : i32
        %sign3A_59 = arith.cmpi slt, %scan3A_51, %sign3A_58 : i32
        %sign3A_60 = arith.extui %sign3A_59 : i1 to i32
        %sign3A_61 = arith.subi %sign3A_57, %sign3A_60 : i32
        %sign3A_62 = arith.constant 0 : i32
        %sign3A_63 = arith.cmpi sgt, %jit3A_53, %sign3A_62 : i32
        %sign3A_64 = arith.extui %sign3A_63 : i1 to i32
        %sign3A_65 = arith.constant 0 : i32
        %sign3A_66 = arith.cmpi slt, %jit3A_53, %sign3A_65 : i32
        %sign3A_67 = arith.extui %sign3A_66 : i1 to i32
        %sign3A_68 = arith.subi %sign3A_64, %sign3A_67 : i32
        %ne3A_69 = arith.cmpi ne, %sign3A_61, %sign3A_68 : i32
        %rem3A_70 = arith.remsi %scan3A_51, %jit3A_53 : i32
        %ne3A_71 = arith.constant 0 : i32
        %ne3A_72 = arith.cmpi ne, %rem3A_70, %ne3A_71 : i32
        %and3A_73 = arith.andi %ne3A_69, %ne3A_72 : i1
        %sub3A_74 = arith.constant 1 : i32
        %sub3A_75 = arith.subi %div3A_54, %sub3A_74 : i32
        %select_n3A_76 = arith.select %and3A_73, %sub3A_75, %div3A_54 : i32
        %jit3A_77 = arith.constant 8 : i32
        %eq3A_78 = arith.constant 0 : i32
        %eq3A_79 = arith.cmpi eq, %jit3A_77, %eq3A_78 : i32
        %jit3A_80 = arith.constant 1 : i32
        %select_n3A_81 = arith.select %eq3A_79, %jit3A_80, %jit3A_77 : i32
        %rem3A_82 = arith.remsi %scan3A_51, %select_n3A_81 : i32
        %ne3A_83 = arith.constant 0 : i32
        %ne3A_84 = arith.cmpi ne, %rem3A_82, %ne3A_83 : i32
        %lt3A_85 = arith.constant 0 : i32
        %lt3A_86 = arith.cmpi slt, %rem3A_82, %lt3A_85 : i32
        %lt3A_87 = arith.constant 0 : i32
        %lt3A_88 = arith.cmpi slt, %select_n3A_81, %lt3A_87 : i32
        %ne3A_89 = arith.xori %lt3A_86, %lt3A_88 : i1
        %and3A_90 = arith.andi %ne3A_89, %ne3A_84 : i1
        %add3A_91 = arith.addi %rem3A_82, %select_n3A_81 : i32
        %select_n3A_92 = arith.select %and3A_90, %add3A_91, %rem3A_82 : i32
        %mul3A_93 = arith.constant 8 : i32
        %mul3A_94 = arith.muli %scan3A_40, %mul3A_93 : i32
        %add3A_95 = arith.addi %mul3A_94, %select_n3A_76 : i32
        %mul3A_96 = arith.constant 16 : i32
        %mul3A_97 = arith.muli %select_n3A_92, %mul3A_96 : i32
        %get3A = arith.index_cast %add3A_95 : i32 to index
        %get3A_98 = arith.index_cast %mul3A_97 : i32 to index
        %get3A_99 = tpu.vector_load %arg5[%get3A, %get3A_98] {strides = array<i32>} : memref<56x128xi32, #tpu.memory_space<vmem>>, vector<16xi32>,
        %broadcast_in_dim3A_100 = vector.broadcast %select_n3A_76 : i32 to vector<16xi32>
        %mul3A_101 = arith.constant 16 : i32
        %mul3A_102 = arith.muli %select_n3A_92, %mul3A_101 : i32
        %add3A_103 = vector.broadcast %mul3A_102 : i32 to vector<16xi32>
        %add3A_104 = arith.addi %add3A_103, %iota3A : vector<16xi32>
        %gather3A = tpu.vector_load_idx %arg6[%get3A_99, %broadcast_in_dim3A_100, %add3A_104] : memref<96x8x128xf32, #tpu.memory_space<vmem>>[vector<16xi32>, vector<16xi32>, vector<16xi32>], vector<16xf32>,
        %sub3A_105 = arith.subf %scan3A_52, %gather3A : vector<16xf32>
        scf.yield %sub3A_105 : vector<16xf32>
      }
      %scan3A_50 = arith.constant 64 : i32
      scf.yield %scan3A_49 : vector<16xf32>
    }
    %scan3A_38 = arith.constant 7 : i32
    %swap3A = arith.constant 0 : index
    %swap3A_39 = tpu.vector_load %arg7[%swap3A] {strides = array<i32>} : memref<16xf32, #tpu.memory_space<vmem>>, vector<16xf32>,
    tpu.vector_store %arg7[%swap3A], %scan3A_37 {strides = array<i32>} : memref<16xf32, #tpu.memory_space<vmem>>, vector<16xf32>,
    "tpu.region"() ({
      %run_scoped3A = tpu.sem_alloc : memref<!tpu.dma_semaphore, #tpu.memory_space<semaphore_mem>>
      %dma_start3A = arith.constant 0 : i32
      %dma_start3A_40 = tpu.memref_slice %arg4[%add3A, %dma_start3A] : memref<32x16xf32, #tpu.memory_space<hbm>> -> memref<1x16xf32, #tpu.memory_space<hbm>>
      %dma_start3A_41 = tpu.memref_squeeze %dma_start3A_40 : memref<1x16xf32, #tpu.memory_space<hbm>> -> memref<16xf32, #tpu.memory_space<hbm>>
      %dma_start3A_42 = arith.constant 0 : i32
      %dma_start3A_43 = tpu.memref_slice %arg4[%add3A, %dma_start3A_42] : memref<32x16xf32, #tpu.memory_space<hbm>> -> memref<1x16xf32, #tpu.memory_space<hbm>>
      %dma_start3A_44 = tpu.memref_squeeze %dma_start3A_43 : memref<1x16xf32, #tpu.memory_space<hbm>> -> memref<16xf32, #tpu.memory_space<hbm>>
      tpu.enqueue_dma source(%arg7 : memref<16xf32, #tpu.memory_space<vmem>>) target(%dma_start3A_44 : memref<16xf32, #tpu.memory_space<hbm>>) target_semaphore(%run_scoped3A : memref<!tpu.dma_semaphore, #tpu.memory_space<semaphore_mem>>)
      %dma_wait3A = arith.constant 0 : i32
      %dma_wait3A_45 = tpu.memref_slice %arg4[%add3A, %dma_wait3A] : memref<32x16xf32, #tpu.memory_space<hbm>> -> memref<1x16xf32, #tpu.memory_space<hbm>>
      %dma_wait3A_46 = tpu.memref_squeeze %dma_wait3A_45 : memref<1x16xf32, #tpu.memory_space<hbm>> -> memref<16xf32, #tpu.memory_space<hbm>>
      %dma_wait3A_47 = arith.constant 0 : i32
      %dma_wait3A_48 = tpu.memref_slice %arg4[%add3A, %dma_wait3A_47] : memref<32x16xf32, #tpu.memory_space<hbm>> -> memref<1x16xf32, #tpu.memory_space<hbm>>
      %dma_wait3A_49 = tpu.memref_squeeze %dma_wait3A_48 : memref<1x16xf32, #tpu.memory_space<hbm>> -> memref<16xf32, #tpu.memory_space<hbm>>
      tpu.wait_dma2 semaphore(%run_scoped3A : memref<!tpu.dma_semaphore, #tpu.memory_space<semaphore_mem>>) src(%arg7 : memref<16xf32, #tpu.memory_space<vmem>>) dst(%dma_wait3A_49 : memref<16xf32, #tpu.memory_space<hbm>>)
      tpu.yield
    }) : () -> ()
    return
  }
}

module attributes {stable_mosaic.version = 14 : i64} {
  func.func @_tc_body(%arg0: i32, %arg1: i32, %arg2: memref<1x96x224x128xf32, #tpu.memory_space<vmem>>, %arg3: memref<1x224x128xi32, #tpu.memory_space<vmem>>, %arg4: memref<1x1xf32, #tpu.memory_space<smem>>) attributes {dimension_semantics = [#tpu.dimension_semantics<arbitrary>, #tpu.dimension_semantics<arbitrary>], iteration_bounds = array<i64: 8, 1>, scalar_prefetch = 0 : i64, scratch_operands = 0 : i64, tpu.core_type = #tpu.core_type<tc>, window_params = [{transform_indices = @transform_0, window_bounds = array<i64: 1, 96, 224, 128>}, {transform_indices = @transform_1, window_bounds = array<i64: 1, 224, 128>}, {transform_indices = @transform_2, window_bounds = array<i64: 1, 1>}]} {
    %get3A = arith.constant 0 : index
    %get3A_0 = arith.constant 0 : index
    %get3A_1 = arith.constant 0 : index
    %get3A_2 = arith.constant 0 : index
    %get3A_3 = vector.load %arg2[%get3A, %get3A_0, %get3A_1, %get3A_2] : memref<1x96x224x128xf32, #tpu.memory_space<vmem>>, vector<1x96x224x128xf32>
    %get3A_4 = vector.shape_cast %get3A_3 : vector<1x96x224x128xf32> to vector<96x224x128xf32>
    %get3A_5 = arith.constant 0 : index
    %get3A_6 = arith.constant 0 : index
    %get3A_7 = arith.constant 0 : index
    %get3A_8 = vector.load %arg3[%get3A_5, %get3A_6, %get3A_7] : memref<1x224x128xi32, #tpu.memory_space<vmem>>, vector<1x224x128xi32>
    %get3A_9 = vector.shape_cast %get3A_8 : vector<1x224x128xi32> to vector<224x128xi32>
    %ge3A = arith.constant 32 : i32
    %ge3A_10 = vector.broadcast %ge3A : i32 to vector<224x128xi32>
    %ge3A_11 = arith.cmpi sge, %get3A_9, %ge3A_10 : vector<224x128xi32>
    %broadcast_in_dim3A = vector.shape_cast %ge3A_11 : vector<224x128xi1> to vector<1x224x128xi1>
    %broadcast_in_dim3A_12 = vector.shape_cast %broadcast_in_dim3A : vector<1x224x128xi1> to vector<1x224x128xi1>
    %broadcast_in_dim3A_13 = vector.broadcast %broadcast_in_dim3A_12 : vector<1x224x128xi1> to vector<32x224x128xi1>
    %ge3A_14 = arith.constant 64 : i32
    %ge3A_15 = vector.broadcast %ge3A_14 : i32 to vector<224x128xi32>
    %ge3A_16 = arith.cmpi sge, %get3A_9, %ge3A_15 : vector<224x128xi32>
    %broadcast_in_dim3A_17 = vector.shape_cast %ge3A_16 : vector<224x128xi1> to vector<1x224x128xi1>
    %broadcast_in_dim3A_18 = vector.shape_cast %broadcast_in_dim3A_17 : vector<1x224x128xi1> to vector<1x224x128xi1>
    %broadcast_in_dim3A_19 = vector.broadcast %broadcast_in_dim3A_18 : vector<1x224x128xi1> to vector<32x224x128xi1>
    %slice3A = vector.extract_strided_slice %get3A_4 {offsets = [64, 0, 0], sizes = [32, 224, 128], strides = [1, 1, 1]} : vector<96x224x128xf32> to vector<32x224x128xf32>
    %slice3A_20 = vector.extract_strided_slice %get3A_4 {offsets = [32, 0, 0], sizes = [32, 224, 128], strides = [1, 1, 1]} : vector<96x224x128xf32> to vector<32x224x128xf32>
    %slice3A_21 = vector.extract_strided_slice %get3A_4 {offsets = [0, 0, 0], sizes = [32, 224, 128], strides = [1, 1, 1]} : vector<96x224x128xf32> to vector<32x224x128xf32>
    %select_n3A = arith.select %broadcast_in_dim3A_13, %slice3A_20, %slice3A_21 : vector<32x224x128xi1>, vector<32x224x128xf32>
    %select_n3A_22 = arith.select %broadcast_in_dim3A_19, %slice3A, %select_n3A : vector<32x224x128xi1>, vector<32x224x128xf32>
    %and3A = arith.constant 16 : i32
    %and3A_23 = vector.broadcast %and3A : i32 to vector<224x128xi32>
    %and3A_24 = arith.andi %get3A_9, %and3A_23 : vector<224x128xi32>
    %gt3A = arith.constant 0 : i32
    %gt3A_25 = vector.broadcast %gt3A : i32 to vector<224x128xi32>
    %gt3A_26 = arith.cmpi sgt, %and3A_24, %gt3A_25 : vector<224x128xi32>
    %broadcast_in_dim3A_27 = vector.shape_cast %gt3A_26 : vector<224x128xi1> to vector<1x224x128xi1>
    %broadcast_in_dim3A_28 = vector.broadcast %broadcast_in_dim3A_27 : vector<1x224x128xi1> to vector<16x224x128xi1>
    %slice3A_29 = vector.extract_strided_slice %select_n3A_22 {offsets = [16, 0, 0], sizes = [16, 224, 128], strides = [1, 1, 1]} : vector<32x224x128xf32> to vector<16x224x128xf32>
    %slice3A_30 = vector.extract_strided_slice %select_n3A_22 {offsets = [0, 0, 0], sizes = [16, 224, 128], strides = [1, 1, 1]} : vector<32x224x128xf32> to vector<16x224x128xf32>
    %select_n3A_31 = arith.select %broadcast_in_dim3A_28, %slice3A_29, %slice3A_30 : vector<16x224x128xi1>, vector<16x224x128xf32>
    %and3A_32 = arith.constant 8 : i32
    %and3A_33 = vector.broadcast %and3A_32 : i32 to vector<224x128xi32>
    %and3A_34 = arith.andi %get3A_9, %and3A_33 : vector<224x128xi32>
    %gt3A_35 = arith.constant 0 : i32
    %gt3A_36 = vector.broadcast %gt3A_35 : i32 to vector<224x128xi32>
    %gt3A_37 = arith.cmpi sgt, %and3A_34, %gt3A_36 : vector<224x128xi32>
    %broadcast_in_dim3A_38 = vector.shape_cast %gt3A_37 : vector<224x128xi1> to vector<1x224x128xi1>
    %broadcast_in_dim3A_39 = vector.broadcast %broadcast_in_dim3A_38 : vector<1x224x128xi1> to vector<8x224x128xi1>
    %slice3A_40 = vector.extract_strided_slice %select_n3A_31 {offsets = [8, 0, 0], sizes = [8, 224, 128], strides = [1, 1, 1]} : vector<16x224x128xf32> to vector<8x224x128xf32>
    %slice3A_41 = vector.extract_strided_slice %select_n3A_31 {offsets = [0, 0, 0], sizes = [8, 224, 128], strides = [1, 1, 1]} : vector<16x224x128xf32> to vector<8x224x128xf32>
    %select_n3A_42 = arith.select %broadcast_in_dim3A_39, %slice3A_40, %slice3A_41 : vector<8x224x128xi1>, vector<8x224x128xf32>
    %and3A_43 = arith.constant 4 : i32
    %and3A_44 = vector.broadcast %and3A_43 : i32 to vector<224x128xi32>
    %and3A_45 = arith.andi %get3A_9, %and3A_44 : vector<224x128xi32>
    %gt3A_46 = arith.constant 0 : i32
    %gt3A_47 = vector.broadcast %gt3A_46 : i32 to vector<224x128xi32>
    %gt3A_48 = arith.cmpi sgt, %and3A_45, %gt3A_47 : vector<224x128xi32>
    %broadcast_in_dim3A_49 = vector.shape_cast %gt3A_48 : vector<224x128xi1> to vector<1x224x128xi1>
    %broadcast_in_dim3A_50 = vector.broadcast %broadcast_in_dim3A_49 : vector<1x224x128xi1> to vector<4x224x128xi1>
    %slice3A_51 = vector.extract_strided_slice %select_n3A_42 {offsets = [4, 0, 0], sizes = [4, 224, 128], strides = [1, 1, 1]} : vector<8x224x128xf32> to vector<4x224x128xf32>
    %slice3A_52 = vector.extract_strided_slice %select_n3A_42 {offsets = [0, 0, 0], sizes = [4, 224, 128], strides = [1, 1, 1]} : vector<8x224x128xf32> to vector<4x224x128xf32>
    %select_n3A_53 = arith.select %broadcast_in_dim3A_50, %slice3A_51, %slice3A_52 : vector<4x224x128xi1>, vector<4x224x128xf32>
    %and3A_54 = arith.constant 2 : i32
    %and3A_55 = vector.broadcast %and3A_54 : i32 to vector<224x128xi32>
    %and3A_56 = arith.andi %get3A_9, %and3A_55 : vector<224x128xi32>
    %gt3A_57 = arith.constant 0 : i32
    %gt3A_58 = vector.broadcast %gt3A_57 : i32 to vector<224x128xi32>
    %gt3A_59 = arith.cmpi sgt, %and3A_56, %gt3A_58 : vector<224x128xi32>
    %broadcast_in_dim3A_60 = vector.shape_cast %gt3A_59 : vector<224x128xi1> to vector<1x224x128xi1>
    %broadcast_in_dim3A_61 = vector.broadcast %broadcast_in_dim3A_60 : vector<1x224x128xi1> to vector<2x224x128xi1>
    %slice3A_62 = vector.extract_strided_slice %select_n3A_53 {offsets = [2, 0, 0], sizes = [2, 224, 128], strides = [1, 1, 1]} : vector<4x224x128xf32> to vector<2x224x128xf32>
    %slice3A_63 = vector.extract_strided_slice %select_n3A_53 {offsets = [0, 0, 0], sizes = [2, 224, 128], strides = [1, 1, 1]} : vector<4x224x128xf32> to vector<2x224x128xf32>
    %select_n3A_64 = arith.select %broadcast_in_dim3A_61, %slice3A_62, %slice3A_63 : vector<2x224x128xi1>, vector<2x224x128xf32>
    %and3A_65 = arith.constant 1 : i32
    %and3A_66 = vector.broadcast %and3A_65 : i32 to vector<224x128xi32>
    %and3A_67 = arith.andi %get3A_9, %and3A_66 : vector<224x128xi32>
    %gt3A_68 = arith.constant 0 : i32
    %gt3A_69 = vector.broadcast %gt3A_68 : i32 to vector<224x128xi32>
    %gt3A_70 = arith.cmpi sgt, %and3A_67, %gt3A_69 : vector<224x128xi32>
    %broadcast_in_dim3A_71 = vector.shape_cast %gt3A_70 : vector<224x128xi1> to vector<1x224x128xi1>
    %slice3A_72 = vector.extract_strided_slice %select_n3A_64 {offsets = [1, 0, 0], sizes = [1, 224, 128], strides = [1, 1, 1]} : vector<2x224x128xf32> to vector<1x224x128xf32>
    %slice3A_73 = vector.extract_strided_slice %select_n3A_64 {offsets = [0, 0, 0], sizes = [1, 224, 128], strides = [1, 1, 1]} : vector<2x224x128xf32> to vector<1x224x128xf32>
    %select_n3A_74 = arith.select %broadcast_in_dim3A_71, %slice3A_72, %slice3A_73 : vector<1x224x128xi1>, vector<1x224x128xf32>
    %iota3A = tpu.iota {dimensions = array<i32: 2>} : vector<1x224x128xi32>
    %lt3A = arith.constant 96 : i32
    %lt3A_75 = vector.broadcast %lt3A : i32 to vector<1x224x128xi32>
    %lt3A_76 = arith.cmpi slt, %iota3A, %lt3A_75 : vector<1x224x128xi32>
    %eq3A = arith.constant 0 : i32
    %eq3A_77 = arith.cmpi eq, %arg0, %eq3A : i32
    %eq3A_78 = arith.constant 0 : i32
    %eq3A_79 = arith.cmpi eq, %arg1, %eq3A_78 : i32
    %and3A_80 = arith.andi %eq3A_77, %eq3A_79 : i1
    %convert_element_type3A = arith.extui %and3A_80 : i1 to i32
    %cond3A = arith.constant 0 : i32
    %cond3A_81 = arith.cmpi ne, %convert_element_type3A, %cond3A : i32
    scf.if %cond3A_81 {
      %swap3A_93 = arith.constant 0.000000e+00 : f32
      %swap3A_94 = arith.constant 0 : index
      %swap3A_95 = arith.constant 0 : index
      %swap3A_96 = memref.load %arg4[%swap3A_94, %swap3A_95] : memref<1x1xf32, #tpu.memory_space<smem>>
      memref.store %swap3A_93, %arg4[%swap3A_94, %swap3A_95] : memref<1x1xf32, #tpu.memory_space<smem>>
    } else {
    }
    %get3A_82 = arith.constant 0 : index
    %get3A_83 = arith.constant 0 : index
    %get3A_84 = memref.load %arg4[%get3A_82, %get3A_83] : memref<1x1xf32, #tpu.memory_space<smem>>
    %jit3A = arith.constant 0.000000e+00 : f32
    %broadcast_in_dim3A_85 = vector.broadcast %jit3A : f32 to vector<1x224x128xf32>
    %select_n3A_86 = arith.select %lt3A_76, %select_n3A_74, %broadcast_in_dim3A_85 : vector<1x224x128xi1>, vector<1x224x128xf32>
    %reduce_sum3A = vector.shape_cast %select_n3A_86 : vector<1x224x128xf32> to vector<1x1x224x128xf32>
    %reduce_sum3A_87 = arith.constant dense<0.000000e+00> : vector<1xf32>
    %reduce_sum3A_88 = vector.multi_reduction <add>, %reduce_sum3A, %reduce_sum3A_87 [1, 2, 3] : vector<1x1x224x128xf32> to vector<1xf32>
    %reduce_sum3A_89 = vector.shape_cast %reduce_sum3A_88 : vector<1xf32> to vector<1x1x1x1xf32>
    %reduce_sum3A_90 = vector.extract %reduce_sum3A_89[0, 0, 0, 0] : f32 from vector<1x1x1x1xf32>
    %sub3A = arith.subf %get3A_84, %reduce_sum3A_90 : f32
    %swap3A = arith.constant 0 : index
    %swap3A_91 = arith.constant 0 : index
    %swap3A_92 = memref.load %arg4[%swap3A, %swap3A_91] : memref<1x1xf32, #tpu.memory_space<smem>>
    memref.store %sub3A, %arg4[%swap3A, %swap3A_91] : memref<1x1xf32, #tpu.memory_space<smem>>
    return
  }
  func.func @transform_0(%arg0: i32, %arg1: i32) -> (i32, i32, i32, i32) {
    %c0_i32 = arith.constant 0 : i32
    %c1_i32 = arith.constant 1 : i32
    %c0_i32_0 = arith.constant 0 : i32
    return %arg0, %c0_i32, %arg1, %c1_i32 : i32, i32, i32, i32
  }
  func.func @transform_1(%arg0: i32, %arg1: i32) -> (i32, i32, i32) {
    %c1_i32 = arith.constant 1 : i32
    %c0_i32 = arith.constant 0 : i32
    return %arg0, %arg1, %c1_i32 : i32, i32, i32
  }
  func.func @transform_2(%arg0: i32, %arg1: i32) -> (i32, i32) {
    %c0_i32 = arith.constant 0 : i32
    %c0_i32_0 = arith.constant 0 : i32
    %c0_i32_1 = arith.constant 0 : i32
    return %c0_i32, %c0_i32_0 : i32, i32
  }
}

</mosaic_0001>

<sc_bundles>
// kernel: kernel.4.cloned.1.call-start
scs
__scs_entry_jumppad:
0x0: {  	(pc) =	sbr.rel $0x88, $3  }
0x1: {  	(tag) =	ssettag $0x0;
	lr =	simm.s32 $0x1  }
0x2: {  	[smem:$0x3F9F] =	sst lr;
	_ =	strace $0xD0000000  }
0x3: {  	_ = 	snop  }
0x4: {  	_ = 	snop  }
0x5: {  	_ = 	snop  }
0x6: {  	_ = 	snop  }
0x7: {  	_ = 	snop  }
__scs_overlays_trampoline_lowered:
0x8: {  	[smem:$0x3FAE] =	sst s0  }
0x9: {  	[smem:$0x3FAF] =	sst s1  }
0xa: {  	[smem:$0x3FB0] =	sst s2  }
0xb: {  	[smem:$0x3FB1] =	sst s3  }
0xc: {  	[smem:$0x3FB2] =	sst s4  }
0xd: {  	[smem:$0x3FB3] =	sst s5  }
0xe: {  	[smem:$0x3FB4] =	sst s6  }
0xf: {  	[smem:$0x3FB5] =	sst s7  }
0x10: {  	[smem:$0x3FB6] =	sst s8  }
0x11: {  	[smem:$0x3FB7] =	sst s9;
	s0 =	simm.s32 @!p0 $0x0  }
0x12: {  	s1 =	sld [smem:$0x3F9D];
	s0 =	simm.s32 @p0 $0x1  }
0x13: {  	[smem:$0x3FB8] =	sst s0;
	s0 =	simm.s32 @!p1 $0x0  }
0x14: {  	s2 =	sld [smem:$0x3F9C];
	s0 =	simm.s32 @p1 $0x1  }
0x15: {  	[smem:$0x3FB9] =	sst s0;
	s0 =	simm.s32 @!p2 $0x0  }
0x16: {  	s3 =	sld [smem:$0x3FDB];
	s0 =	simm.s32 @p2 $0x1  }
0x17: {  	s4 =	simm.s32 $0x1BF5;
	[smem:$0x3FBB] =	sst s0  }
0x18: {  	s0 =	sld [smem:$0x3F9E];
	_ =	swait.ge [sflag:s4], $0x0  }
0x19: {  	s7 =	sld [smem:$0x3F9F]  }
0x1a: {  	s8 =	sadd.s32 $0xFFFFE003, lr  }
0x1b: {  	s9 =	sadd.s32 $0xFFFFFEF7, lr;
	s5 =	simm.s32 $0xFFFFFFFF;
	p2 =	slt.u32 s8, $0xFFFFF086  }
0x1c: {  	p1 =	slt.u32 s9, $0xF7A;
	s5 =	simm.s32 @!p2 $0x0  }
0x1d: {  	s5 =	simm.s32 @p1 $0x1;
	p0 =	seq.s32 s7, s2  }
0x1e: {  	s7 =	smul.u32 @!p0 $0xF7A, s2;
	p2 =	seq.s32 @!p0 s5, $0x0  }
0x1f: {  	s9 =	smul.u32 $0xF7A, s1;
	s8 =	simm.s32 @!p0 $0x1BF5;
	p2 =	por !p2, p0  }
0x20: {  	[sflag:s8] =	ssyncset.s32 @!p0 $0xFFFFF086;
	s6 =	sadd.s32 @!p0 s3, s7;
	s7 =	simm.s32 @!p0 $0x108  }
0x21: {  	s3 =	sadd.s32 s3, s9;
	s6 =	sadd.s32 @!p0 $0x88, s6;
	s7 =	simm.s32 @p2 $0x1082  }
0x22: {  	[simem:s7], [sflag:s8] =	dma.local @!p0 [hbm:s6], $0xF7A  }
0x23: {  	s9 =	sor.u32 $0xD0000000, s2;
	s6 =	simm.s32 $0x108;
	_ =	swait.ge @!p0 [sflag:s8], $0x0  }
0x24: {  	s3 =	sadd.s32 $0x88, s3;
	s6 =	simm.s32 @!p1 $0x1082;
	[sflag:s4] =	ssyncset.s32 $0xFFFFF086  }
0x25: {  	[simem:s6], [sflag:s4] =	dma.local [hbm:s3], $0xF7A  }
0x26: {  	[smem:$0x3F9F] =	sst s1;
	(tag) =	ssettag s2;
	_ =	strace s9  }
0x27: {  	s1 =	sld [smem:$0x3FAF]  }
0x28: {  	s2 =	sld [smem:$0x3FB0]  }
0x29: {  	s4 =	sld [smem:$0x3FB2]  }
0x2a: {  	p0 =	seq.s32 s5, $0x0;
	s5 =	sld [smem:$0x3FB3]  }
0x2b: {  	s6 =	sld [smem:$0x3FB4]  }
0x2c: {  	s7 =	sld [smem:$0x3FB5]  }
0x2d: {  	s3 =	simm.s32 $0x108;
	s8 =	sld [smem:$0x3FB6]  }
0x2e: {  	s3 =	simm.s32 @!p0 $0x1082;
	s9 =	sld [smem:$0x3FB7]  }
0x2f: {  	lr =	sadd.s32 s0, s3;
	s0 =	sld [smem:$0x3FAE]  }
0x30: {  	s3 =	sld [smem:$0x3FB1]  }
0x31: {  	[smem:$0x3FBA] =	sst s10  }
0x32: {  	s10 =	sld [smem:$0x3FB8];
	_ =	sdelay $0x3  }
0x33: {  	p0 =	seq.s32 s10, $0x1;
	s10 =	sld [smem:$0x3FBA];
	_ =	sdelay $0x3  }
0x34: {  	[smem:$0x3FBA] =	sst s10  }
0x35: {  	s10 =	sld [smem:$0x3FB9];
	_ =	sdelay $0x3  }
0x36: {  	p1 =	seq.s32 s10, $0x1;
	s10 =	sld [smem:$0x3FBA];
	_ =	sdelay $0x3  }
0x37: {  	[smem:$0x3FBA] =	sst s10  }
0x38: {  	s10 =	sld [smem:$0x3FBB]  }
0x39: {  	_ = 	snop;
	(pc) =	sbr.ind lr, $3  }
0x3a: {  	_ = 	snop  }
0x3b: {  	_ = 	snop  }
0x3c: {  	p2 =	seq.s32 s10, $0x1;
	s10 =	sld [smem:$0x3FBA]  }
0x3d: {  	_ =	shalt  }
0x3e: {  	_ =	shalt  }
0x3f: {  	_ =	shalt  }
0x40: {  	_ =	shalt  }
0x41: {  	_ =	shalt  }
0x42: {  	_ =	shalt  }
0x43: {  	_ =	shalt  }
0x44: {  	_ =	shalt  }
0x45: {  	_ =	shalt  }
0x46: {  	_ =	shalt  }
0x47: {  	_ =	shalt  }
0x48: {  	_ =	shalt  }
0x49: {  	_ =	shalt  }
0x4a: {  	_ =	shalt  }
0x4b: {  	_ =	shalt  }
0x4c: {  	_ =	shalt  }
0x4d: {  	_ =	shalt  }
0x4e: {  	_ =	shalt  }
0x4f: {  	_ =	shalt  }
0x50: {  	_ =	shalt  }
0x51: {  	_ =	shalt  }
0x52: {  	_ =	shalt  }
0x53: {  	_ =	shalt  }
0x54: {  	_ =	shalt  }
0x55: {  	_ =	shalt  }
0x56: {  	_ =	shalt  }
0x57: {  	_ =	shalt  }
0x58: {  	_ =	shalt  }
0x59: {  	_ =	shalt  }
0x5a: {  	_ =	shalt  }
0x5b: {  	_ =	shalt  }
0x5c: {  	_ =	shalt  }
0x5d: {  	_ =	shalt  }
0x5e: {  	_ =	shalt  }
0x5f: {  	_ =	shalt  }
0x60: {  	_ =	shalt  }
0x61: {  	_ =	shalt  }
0x62: {  	_ =	shalt  }
0x63: {  	_ =	shalt  }
0x64: {  	_ =	shalt  }
0x65: {  	_ =	shalt  }
0x66: {  	_ =	shalt  }
0x67: {  	_ =	shalt  }
0x68: {  	_ =	shalt  }
0x69: {  	_ =	shalt  }
0x6a: {  	_ =	shalt  }
0x6b: {  	_ =	shalt  }
0x6c: {  	_ =	shalt  }
0x6d: {  	_ =	shalt  }
0x6e: {  	_ =	shalt  }
0x6f: {  	_ =	shalt  }
0x70: {  	_ =	shalt  }
0x71: {  	_ =	shalt  }
0x72: {  	_ =	shalt  }
0x73: {  	_ =	shalt  }
0x74: {  	_ =	shalt  }
0x75: {  	_ =	shalt  }
0x76: {  	_ =	shalt  }
0x77: {  	_ =	shalt  }
0x78: {  	_ =	shalt  }
0x79: {  	_ =	shalt  }
0x7a: {  	_ =	shalt  }
0x7b: {  	_ =	shalt  }
0x7c: {  	_ =	shalt  }
0x7d: {  	_ =	shalt  }
0x7e: {  	_ =	shalt  }
0x7f: {  	_ =	shalt  }
0x80: {  	_ =	shalt  }
0x81: {  	_ =	shalt  }
0x82: {  	_ =	shalt  }
0x83: {  	_ =	shalt  }
0x84: {  	_ =	shalt  }
0x85: {  	_ =	shalt  }
0x86: {  	_ =	shalt  }
0x87: {  	_ =	shalt  }
.Lfunc_end0:
.L_simem_size_0:
called_computation_lowered:
.L_overlay_start_0:
0x88: {  	s2 =	sld [smem:$0x3FD9]  }
0x89: {  	s3 =	sld [smem:$0x3FFE];
	_ =	sdelay $0x1  }
0x8a: {  	s1 =	srdreg.scid  }
0x8b: {  	s0 =	sand.u32 $0x1, s1  }
0x8c: {  	s17 =	sshll.u32 s0, $0xA;
	s2 =	sadd.s32 s3, s2  }
0x8d: {  	s2 =	sadd.s32 s2, s17  }
0x8e: {  	[smem:$0x3FC6] =	sst s2  }
0x8f: {  	_ = 	snop  }
0x90: {  	s2 =	sld [smem:$0x3FC9]  }
0x91: {  	s18 =	sld [smem:$0x3FC8];
	(tm) =	ssettm $0x1  }
0x92: {  	s4 =	sld [smem:$0x3FFB];
	_ =	sdelay $0x3  }
0x93: {  	_ =	strace s4  }
0x94: {  	s4 =	sld [smem:$0x3FFC];
	_ =	sdelay $0x3  }
0x95: {  	_ =	strace s4  }
0x96: {  	s4 =	sld [smem:$0x3FFD];
	_ =	sdelay $0x3  }
0x97: {  	_ =	strace s4  }
0x98: {  	_ =	strace $0x8FFFFFFF  }
0x99: {  	s19 =	sld [smem:$0x3FDB];
	_ =	sdelay $0x1  }
0x9a: {  	s5 =	simm.s32 $_scs_section_size  }
0x9b: {  	s6 =	simm.s32 $_size__tile_overlayer_lowered;
	s7 =	simm.s32 $_tile_overlayer_lowered  }
0x9c: {  	s22 =	simm.s32 $0x1BFF;
	s21 =	sshll.u32 s7, $0x1;
	s4 =	sadd.s32 s5, s19  }
0x9d: {  	s8 =	simm.s32 $0x0;
	s20 =	sshll.u32 s6, $0x1;
	s6 =	sadd.s32 s21, s4  }
0x9e: {  	[timem:s8], [sflag:s22] =	dma.local [hbm:s6], s20  }
0x9f: {  	_ =	swait.ge [sflag:s22], s20  }
0xa0: {  	s5 =	ssub.s32 $0x0, s20;
	[sflag:s22] =	ssyncset.done $0x0  }
0xa1: {  	[sflag:s22] =	ssyncadd.s32 s5;
	_ =	sdelay $0x1  }
0xa2: {  	s23 =	simm.s32 $0x1B8B  }
0xa3: {  	_ =	swait.ge [sflag:s23], $0x1  }
0xa4: {  	[sflag:s23] =	ssyncset.done $0x0  }
0xa5: {  	s25 =	simm.s32 $0x1B8E;
	s24 =	sld [smem:$0x3FFE];
	[sflag:s23] =	ssyncadd.s32 $0xFFFFFFFF  }
0xa6: {  	s26 =	simm.s32 $execute0_lowered;
	[smem:$0x3FD2] =	sst s25  }
0xa7: {  	s6 =	sshll.u32 s26, $0x1;
	_ =	strace $0x80000046;
	[dreg:$0x1] =	wrdreg $0xFFFFFFFF  }
0xa8: {  	s28 =	simm.s32 $_size_execute0_lowered;
	s4 =	sadd.s32 s4, s6;
	[dreg:$0x0] =	wrdreg $0x0  }
0xa9: {  	s6 =	sshll.u32 s28, $0x1;
	[dreg:$0x2] =	wrdreg s4  }
0xaa: {  	[dreg:$0x3] =	wrdreg s6  }
0xab: {  	[dreg:$0x4] =	wrdreg $0xC0  }
0xac: {  	_ =	task [dreg:s8], $0x5FFFF  }
0xad: {  	[dreg:$0x1] =	wrdreg $0xFFFFFFFF  }
0xae: {  	[dreg:$0x0] =	wrdreg $0x60  }
0xaf: {  	[dreg:$0x2] =	wrdreg s2  }
0xb0: {  	[dreg:$0x3] =	wrdreg s18  }
0xb1: {  	[dreg:$0x4] =	wrdreg s24  }
0xb2: {  	[dreg:$0x5] =	wrdreg $0x9  }
0xb3: {  	_ =	task.clear_ibuf [dreg:s8], $0x6FFFF;
	_ =	strace $0x90000046  }
0xb4: {  	s29 =	simm.s32 $0x9;
	_ =	strace $0x80000048  }
0xb5: {  	_ =	swait.ge [sflag:s29], $0x1  }
0xb6: {  	[sflag:s29] =	ssyncadd.s32 $0xFFFFFFFF  }
0xb7: {  	_ =	strace $0x90000048  }
0xb8: {  	_ =	sfence  }
0xb9: {  	s30 =	sld [smem:$0x0];
	_ =	sdelay $0x2  }
0xba: {  	s31 =	sshll.u32 s1, $0xD;
	s1 =	sshrl.u32 s1, $0x2  }
0xbb: {  	s3 =	sand.u32 $0x4000, s31;
	s1 =	sadd.s32 s1, s30  }
0xbc: {  	s0 =	sor.u32 s3, s0;
	s1 =	sshll.u32 s1, $0x11  }
0xbd: {  	s0 =	sor.u32 s1, s0  }
0xbe: {  	s0 =	sadd.s32 $0x8F2B, s0  }
0xbf: {  	[sflag:s0] =	ssyncadd.remote.s32 $0x1  }
0xc0: {  	_ =	sfence.sel $0xFFFF  }
0xc1: {  	[dreg:$0x0] =	wrdreg $0xFFFFFFFF;
	(pc) =	sbr.abs _section_cstart, $3  }
0xc2: {  	[dreg:$0x1] =	wrdreg $0xFFFFFFFF  }
0xc3: {  	_ =	task.clear_ibuf [dreg:s8], $0x2FFFF;
	_ =	strace $0x9FFFFFFF  }
0xc4: {  	(tm) =	ssettm $0x7FFFFFFF  }
0xc5: {  	_ =	shalt  }
tec
execute0_lowered:
.L_overlay_start_1:
0x0: {  	(tag) =	ssettag $0x1  }
0x1: {  	s1 =	rddreg [dreg:$0x0]  }
0x2: {  	s5 =	rddreg [dreg:$0x1];
	s2 =	srdreg.scid  }
0x3: {  	s0 =	stileid.u32;
	s4 =	rddreg [dreg:$0x2]  }
0x4: {  	s12 =	simm.s32 $0xE000;
	s13 =	simm.s32 $0x1C00;
	s14 =	simm.s32 $0x19C00  }
0x5: {  	s15 =	simm.s32 $0x0;
	s6 =	sand.u32 $0x1, s2;
	s3 =	sshll.u32 s0, $0x1  }
0x6: {  	s2 =	rddreg [dreg:$0x3];
	s8 =	sshrl.u32 s0, $0x1;
	s7 =	sor.u32 s6, s3  }
0x7: {  	s3 =	simm.s32 $0x0;
	s10 =	smul.u32 $0xE000, s8;
	s6 =	ssub.s32 $0x2, s6  }
0x8: {  	s9 =	sand.u32 $0x3, s7;
	[smem:$0x7FF] =	sst s3;
	s7 =	sshll.u32 s7, $0x4  }
0x9: {  	s29 =	sshrl.u32 s6, $0x1;
	s11 =	smul.u32 $0x3800, s9;
	_ =	strace $0x80000047  }
0xa: {  	s7 =	sadd.s32 s7, s4;
	s4 =	smul.u32 $0x38, s9;
	s31 =	ssub.s32 s6, s29  }
0xb: {  	s6 =	smul.u32 $0x540000, s8;
	s9 =	simm.s32 $0x400;
	s10 =	sadd.s32 s10, s11  }
0xc: {  	s7 =	sadd.s32 $0x200, s7;
	s8 =	smax.u32 s31, $0x1;
	s30 =	sshrl.u32 s10, $0x3  }
0xd: {  	v0 =	vlaneseq.u32;
	s11 =	simm.s32 $0x1;
	s10 =	simm.s32 $0x800;
	s5 =	sadd.s32 s5, s30  }
.LBB2_1:
0xe: {  	[tilespmem:s3], [sflag:$0x1] =	stream.strided.gather [hbm4b:s5+s9], $0x1C00, s10, s9, $0x38;
	[tilespmem:$0x19C80] =	vst v63  }
0xf: {  	_ =	swait.ge [sflag:s11], $0x1C00  }
0x10: {  	[sflag:s11] =	ssyncset.done $0x0  }
0x11: {  	v1 =	vimm.f32 $0.0e+00;
	s16 =	simm.s32 $0x0;
	[sflag:s11] =	ssyncadd.s32 $0xFFFFE400  }
.LBB2_2:
0x12: {  	s17 =	sshll.u32 s16, $0x3  }
0x13: {  	s18 =	sadd.s32 s4, s17  }
0x14: {  	s18 =	sshll.u32 s18, $0x8  }
0x15: {  	s18 =	sadd.s32 s6, s18  }
0x16: {  	s18 =	sshrl.u32 s18, $0x3  }
0x17: {  	s23 =	sadd.s32 $0x0, s17;
	s18 =	sadd.s32 s1, s18  }
0x18: {  	[tilespmem:s13], [sflag:$0x1] =	stream.strided.gather [hbm4b:s18+s9], $0x18000, s12, s9, $0x38;
	[tilespmem:$0x19C80] =	vst v63  }
0x19: {  	s19 =	simm.s32 $0x0;
	s18 =	sshll.u32 s23, $0x7;
	_ =	swait.ge [sflag:s11], $0x18000  }
0x1a: {  	s19 =	sand.u32 $0x70, s19;
	s18 =	sand.u32 $0x3FFFFF80, s18;
	[sflag:s11] =	ssyncset.done $0x0  }
0x1b: {  	s18 =	sor.u32 s19, s18;
	[sflag:s11] =	ssyncadd.s32 $0xFFFE8000  }
0x1c: {  	v2 =	vld [tilespmem:s18+$0x0]  }
0x1d: {  	s24 =	sadd.s32 $0x0, s17  }
0x1e: {  	s20 =	simm.s32 $0x10;
	s18 =	sshll.u32 s24, $0x7  }
0x1f: {  	s21 =	sand.u32 $0x70, s20;
	s18 =	sand.u32 $0x3FFFFF80, s18  }
0x20: {  	s18 =	sor.u32 s21, s18  }
0x21: {  	s22 =	simm.s32 $0x0;
	v3 =	vld [tilespmem:s18+$0x0];
	v2 =	vshll.u32 v2, $0xA  }
0x22: {  	v2 =	vadd.s32 s22, v2  }
0x23: {  	s25 =	sadd.s32 $0x0, s17;
	v2 =	vor.u32 s19, v2  }
0x24: {  	s20 =	sshll.u32 s25, $0x7;
	s23 =	simm.s32 $0x20;
	v2 =	vor.u32 v0, v2  }
0x25: {  	s20 =	sand.u32 $0x3FFFFF80, s20;
	s18 =	sand.u32 $0x70, s23  }
0x26: {  	s29 =	simm.s32 $0x0;
	s26 =	sor.u32 s18, s20;
	v3 =	vshll.u32 v3, $0xA  }
0x27: {  	v4 =	vld [tilespmem:s26+$0x0];
	v3 =	vadd.s32 s29, v3  }
0x28: {  	v3 =	vor.u32 s21, v3  }
0x29: {  	s28 =	sadd.s32 $0x0, s17;
	v3 =	vor.u32 v0, v3;
	v2 =	vld.idx.msk [tilespmem:v2+s13+$0x0], $0xffff  }
0x2a: {  	s30 =	sshll.u32 s28, $0x7;
	s19 =	simm.s32 $0x30  }
0x2b: {  	s22 =	sand.u32 $0x3FFFFF80, s30;
	s20 =	sand.u32 $0x70, s19  }
0x2c: {  	s24 =	simm.s32 $0x0;
	s31 =	sor.u32 s20, s22;
	v5 =	vshll.u32 v4, $0xA  }
0x2d: {  	s22 =	simm.s32 $0x4;
	s21 =	simm.s32 $0x0;
	v4 =	vld [tilespmem:s31+$0x0];
	v5 =	vadd.s32 s24, v5  }
.LBB2_3:
0x2e: {  	s23 =	sshrl.u32 s22, $0x3;
	p0 =	sne.s32 s22, $0x3F;
	s22 =	sadd.s32 $0x1, s22;
	v5 =	vor.u32 s18, v5;
	v1 =	vsub.f32 v1, v2;
	v2 =	vld.idx.msk [tilespmem:v3+s13+$0x0], $0xffff  }
.Ltmp0:
0x2f: {  	s18 =	smov.u32 s20;
	s24 =	sadd.s32 s17, s23;
	v3 =	vor.u32 v0, v5;
	(pc) =	sbr.rel @p0 .LBB2_3-.Ltmp0, $4  }
0x30: {  	s19 =	sadd.s32 $0x10, s19;
	s24 =	sshll.u32 s24, $0x7  }
0x31: {  	s20 =	sand.u32 $0x70, s19;
	s24 =	sand.u32 $0x3FFFFF80, s24  }
0x32: {  	s25 =	sshll.u32 s21, $0x7;
	s21 =	smov.u32 s23;
	s24 =	sor.u32 s20, s24;
	v5 =	vshll.u32 v4, $0xA  }
0x33: {  	v4 =	vld [tilespmem:s24+$0x0];
	v5 =	vadd.s32 s25, v5  }
0x34: {  	_ =	sdelay $0x3  }
0x35: {  	v5 =	vor.u32 s18, v5;
	s17 =	sshll.u32 s21, $0x7;
	v4 =	vshll.u32 v4, $0xA  }
0x36: {  	v5 =	vor.u32 v0, v5;
	v4 =	vadd.s32 s17, v4  }
0x37: {  	v4 =	vor.u32 s20, v4  }
0x38: {  	v4 =	vor.u32 v0, v4  }
0x39: {  	v3 =	vld.idx.msk [tilespmem:v3+s13+$0x0], $0xffff;
	_ =	sdelay $0x1  }
0x3a: {  	v5 =	vld.idx.msk [tilespmem:v5+s13+$0x0], $0xffff  }
0x3b: {  	v1 =	vsub.f32 v1, v2  }
0x3c: {  	s16 =	sadd.s32 $0x1, s16;
	v2 =	vld.idx.msk [tilespmem:v4+s13+$0x0], $0xffff  }
0x3d: {  	p0 =	sne.s32 s16, $0x7;
	v1 =	vsub.f32 v1, v3  }
.Ltmp1:
0x3e: {  	_ = 	snop;
	(pc) =	sbr.rel @p0 .LBB2_2-.Ltmp1, $2  }
0x3f: {  	v1 =	vsub.f32 v1, v5;
	_ =	sdelay $0x1  }
0x40: {  	v1 =	vsub.f32 v1, v2;
	_ =	sdelay $0x1  }
0x41: {  	s15 =	sadd.s32 $0x1, s15  }
0x42: {  	p0 =	sne.s32 s15, s8  }
.Ltmp2:
0x43: {  	[tilespmem:$0x19C00] =	vst v1;
	(pc) =	sbr.rel @p0 .LBB2_1-.Ltmp2, $4  }
0x44: {  	[hbm4b:s7+s3] =	stream.linear.scatter [tilespmem:s14], [sflag:$0x1], $0x80, $0x38;
	[tilespmem:$0x19C80] =	vst v63  }
0x45: {  	_ =	swait.ge [sflag:s11], $0x80  }
0x46: {  	[sflag:s11] =	ssyncset.done $0x0  }
0x47: {  	[sflag:s11] =	ssyncadd.s32 $0xFFFFFF80  }
0x48: {  	_ =	sfence.sel $0x180000  }
0x49: {  	[bflag:$0x0] =	sbarrier.arrive $0xFFFF  }
0x4a: {  	p0 =	sne.s32 s0, $0x0;
	_ =	strace $0x90000047  }
0x4b: {  	s0 =	sadd.s32 @!p0 $0x100000, s2;
	[bflag:$0x2] =	sbarrier.arrive $0xFFFF  }
0x4c: {  	[sflag:s0] =	ssyncadd.tile.s32 @!p0 $0x1;
	_ =	shalt  }
.Lfunc_end2:
_tile_overlayer_lowered:
.L_overlay_start_2:
0x4d: {  	(tag) =	ssettag $0x2  }
0x4e: {  	s0 =	rddreg [dreg:$0x0];
	s2 =	stileid.u32  }
0x4f: {  	s1 =	rddreg [dreg:$0x1];
	p0 =	sne.s32 s2, $0x0  }
0x50: {  	s3 =	rddreg [dreg:$0x2];
	[bflag:$0x3] =	sbarrier.arrive $0xFFFF;
	s2 =	simm.s32 @!p0 $0x1C01  }
0x51: {  	[timem:s3], [sflag:s2] =	dma.local @!p0 [hbm:s0], s1  }
0x52: {  	s0 =	simm.s32 @!p0 $0x1  }
0x53: {  	_ =	swait.ge @!p0 [sflag:s0], s1  }
0x54: {  	s1 =	ssub.s32 @!p0 $0x0, s1;
	[sflag:s0] =	ssyncset.done @!p0 $0x0  }
0x55: {  	[sflag:s0] =	ssyncadd.s32 @!p0 s1  }
0x56: {  	[bflag:$0x3] =	sbarrier.arrive $0xFFFF  }
0x57: {  	_ =	shalt  }

</sc_bundles>
